<compile_context>
chip_gen: v7x
topology: tpu7x:2x2x1
jax: 0.10.2.dev20260603
libtpu: 0.0.44.dev20260713+nightly
codegen_flags: <defaults>
</compile_context>

<pallas_src>
import functools

import jax
import jax.numpy as jnp
from jax import lax
from jax.experimental import pallas as pl
from jax.experimental.pallas import tpu as pltpu
from jax.experimental.pallas import tpu_sc as plsc

B = 16384
NC, NS = 2, 16
NW = NC * NS
B_PER_W = B // NW

BLK = 4096
BF16 = jnp.bfloat16
F32 = jnp.float32


def _sc_gather_both(brand_tab128, bidx, color_tab128, cidx):
    mesh = plsc.VectorSubcoreMesh(core_axis_name="c", subcore_axis_name="s")

    @functools.partial(
        pl.kernel,
        mesh=mesh,
        out_type=(
            jax.ShapeDtypeStruct((B, 128), F32),
            jax.ShapeDtypeStruct((B, 128), F32),
        ),
        scratch_types=[
            pltpu.VMEM((B_PER_W,), jnp.int32),
            pltpu.VMEM((B_PER_W, 128), F32),
            pltpu.SemaphoreType.DMA,
        ],
    )
    def k(btab_hbm, bidx_hbm, ctab_hbm, cidx_hbm, be_hbm, ce_hbm,
          idx_v, rows_v, sem):
        wid = lax.axis_index("s") * NC + lax.axis_index("c")
        base = wid * B_PER_W
        pltpu.sync_copy(bidx_hbm.at[pl.ds(base, B_PER_W)], idx_v)
        pltpu.async_copy(btab_hbm.at[idx_v], rows_v, sem).wait()
        pltpu.sync_copy(rows_v, be_hbm.at[pl.ds(base, B_PER_W)])
        pltpu.sync_copy(cidx_hbm.at[pl.ds(base, B_PER_W)], idx_v)
        pltpu.async_copy(ctab_hbm.at[idx_v], rows_v, sem).wait()
        pltpu.sync_copy(rows_v, ce_hbm.at[pl.ds(base, B_PER_W)])

    return k(brand_tab128, bidx, color_tab128, cidx)


GSTRIDE = 25088
GSTEPS = 49
GROWS = 512


def _pack_brand(r0, r1, r2, r3, out_ref):
    parts = [jnp.transpose(r[...].astype(BF16)).astype(F32)
             for r in (r0, r1, r2, r3)]
    out_ref[...] = jnp.concatenate(parts, axis=1)


def _pack_brand_table(brand_table_t):
    spec = lambda a: pl.BlockSpec(
        (32, GROWS), lambda i, a=a: (0, a * GSTEPS + i))
    return pl.pallas_call(
        _pack_brand,
        grid=(GSTEPS,),
        in_specs=[spec(0), spec(1), spec(2), spec(3)],
        out_specs=pl.BlockSpec((GROWS, 128), lambda i: (i, 0)),
        out_shape=jax.ShapeDtypeStruct((GSTRIDE, 128), F32),
    )(brand_table_t, brand_table_t, brand_table_t, brand_table_t)


def _tc1(text_ref, price_t_ref, w1all_ref, wp_ref, b1_ref, g_ref):
    xb = text_ref[...].astype(BF16)
    pb = price_t_ref[...].astype(BF16)
    w1t = w1all_ref[0:384, :]
    w1p = w1all_ref[432:448, :]
    pe = lax.dot_general(pb, wp_ref[...], (((0,), (0,)), ((), ())),
                         preferred_element_type=F32)
    g = jnp.dot(xb, w1t, preferred_element_type=F32)
    g += jnp.dot(pe.astype(BF16), w1p, preferred_element_type=F32)
    g_ref[...] = (g + b1_ref[...]).astype(BF16)


def _tc2(g_ref, be128_ref, ce128_ref, bid_ref, cid_ref,
         w1b4_ref, w1c8_ref, w2_ref, b2_ref, out_ref):
    n = be128_ref.shape[0]
    bsel = lax.div(bid_ref[...], GSTRIDE).reshape(n, 1)
    csel = lax.rem(cid_ref[...], 8).reshape(n, 1)
    lane = lax.broadcasted_iota(jnp.int32, (n, 128), 1)
    bemask = jnp.where(lane // 32 == bsel, be128_ref[...], 0.0).astype(BF16)
    cemask = jnp.where(lane // 16 == csel, ce128_ref[...], 0.0).astype(BF16)

    h = g_ref[...].astype(F32)
    h += jnp.dot(bemask, w1b4_ref[...], preferred_element_type=F32)
    h += jnp.dot(cemask, w1c8_ref[...], preferred_element_type=F32)
    h = jnp.maximum(h, 0.0)
    z = jnp.dot(h.astype(BF16), w2_ref[...], preferred_element_type=F32)
    z += b2_ref[...]
    ssq = jnp.maximum(jnp.sum(z * z, axis=1, keepdims=True), 1e-24)
    out_ref[...] = z * lax.rsqrt(ssq)


def kernel(text_emb, brand_id, color_id, price_oneh, brand_table, color_table,
           W_price, W1, b1, W2, b2):
    btab128 = _pack_brand_table(brand_table.T)
    ctab128 = color_table.reshape(-1, 128)
    bidx = lax.rem(brand_id, GSTRIDE)
    cidx = lax.div(color_id, 8)

    be128, ce128 = _sc_gather_both(btab128, bidx, ctab128, cidx)

    w1all = W1.T.astype(BF16)
    w1b4 = jnp.tile(W1[:, 384:416].T.astype(BF16), (4, 1))
    w1c8 = jnp.tile(W1[:, 416:432].T.astype(BF16), (8, 1))
    wp = W_price.T.astype(BF16)
    w2 = W2.T.astype(BF16)
    b1r = b1.reshape(1, 256)
    b2r = b2.reshape(1, 128)

    grid = (B // BLK,)
    row_spec = lambda w: pl.BlockSpec((BLK, w), lambda i: (i, 0))
    vec_spec = pl.BlockSpec((BLK,), lambda i: (i,))
    full_spec = lambda a, b: pl.BlockSpec((a, b), lambda i: (0, 0))

    g = pl.pallas_call(
        _tc1,
        grid=grid,
        in_specs=[
            row_spec(384),
            pl.BlockSpec((100, BLK), lambda i: (0, i)),
            full_spec(448, 256),
            full_spec(100, 16),
            full_spec(1, 256),
        ],
        out_specs=row_spec(256),
        out_shape=jax.ShapeDtypeStruct((B, 256), BF16),
    )(text_emb, price_oneh.T, w1all, wp, b1r)

    out = pl.pallas_call(
        _tc2,
        grid=grid,
        in_specs=[
            row_spec(256),
            row_spec(128),
            row_spec(128),
            vec_spec,
            vec_spec,
            full_spec(128, 256),
            full_spec(128, 256),
            full_spec(256, 128),
            full_spec(1, 128),
        ],
        out_specs=row_spec(128),
        out_shape=jax.ShapeDtypeStruct((B, 128), F32),
    )(g, be128, ce128, brand_id, color_id, w1b4, w1c8, w2, b2r)
    return out

# --- scband reference (transcript-rebuilt; emitter-appended) ---
"""Pipeline reference for scband-item-tower-48421461295475 (READ-ONLY COPY).

The authoritative reference and input builder live on the scoring server;
editing this copy changes nothing except your own understanding.
"""

import jax, jax.numpy as jnp
import numpy as np

B = 16384
TEXT_DIM = 384
N_BRANDS = 100000
N_COLORS = 1000
PRICE_BINS = 100
D = 128


def setup_inputs(seed: int = 0) -> dict:
    key = jax.random.key(seed)
    ks = jax.random.split(key, 10)
    text_emb = jax.random.normal(ks[0], (B, TEXT_DIM), dtype=jnp.float32)
    brand_id = jax.random.randint(ks[1], (B,), 0, N_BRANDS, dtype=jnp.int64 if jax.config.jax_enable_x64 else jnp.int32)
    color_id = jax.random.randint(ks[2], (B,), 0, N_COLORS, dtype=jnp.int64 if jax.config.jax_enable_x64 else jnp.int32)
    price_oneh = jax.random.uniform(ks[3], (B, PRICE_BINS), dtype=jnp.float32)
    brand_table = jax.random.normal(ks[4], (N_BRANDS, 32), dtype=jnp.float32) * 0.02
    color_table = jax.random.normal(ks[5], (N_COLORS, 16), dtype=jnp.float32) * 0.02
    W_price = jax.random.normal(ks[6], (16, PRICE_BINS), dtype=jnp.float32) * 0.05
    in_dim = TEXT_DIM + 32 + 16 + 16
    W1 = jax.random.normal(ks[7], (256, in_dim), dtype=jnp.float32) * (1.0 / np.sqrt(in_dim))
    b1 = jnp.zeros((256,), dtype=jnp.float32)
    W2 = jax.random.normal(ks[8], (D, 256), dtype=jnp.float32) * (1.0 / np.sqrt(256))
    b2 = jnp.zeros((D,), dtype=jnp.float32)
    return {"text_emb": text_emb, "brand_id": brand_id, "color_id": color_id,
            "price_oneh": price_oneh, "brand_table": brand_table, "color_table": color_table,
            "W_price": W_price, "W1": W1, "b1": b1, "W2": W2, "b2": b2}


def reference(text_emb, brand_id, color_id, price_oneh, brand_table, color_table, W_price, W1, b1, W2, b2):
    be = jnp.take(brand_table, brand_id, axis=0)
    ce = jnp.take(color_table, color_id, axis=0)
    pe = price_oneh @ W_price.T
    x = jnp.concatenate([text_emb, be, ce, pe], axis=-1)
    h = jax.nn.relu(x @ W1.T + b1)
    z = h @ W2.T + b2
    # torch F.normalize: x / max(||x||_2, eps)
    norm = jnp.maximum(jnp.linalg.norm(z, axis=-1, keepdims=True), 1e-12)
    return z / norm

if __name__ == "__main__":
    import jax
    _d = setup_inputs()
    print(jax.jit(kernel)(*tuple(_d.values())))

</pallas_src>

<mosaic_0001>
#map = affine_map<(d0, d1) -> (0, 0)>
#map1 = affine_map<(d0, d1) -> (0)>
module attributes {stable_mosaic.version = 14 : i64} {
  func.func @k(%arg0: i32, %arg1: i32, %arg2: memref<25088x128xf32, #tpu.memory_space<hbm>>, %arg3: memref<16384xi32, #tpu.memory_space<hbm>>, %arg4: memref<125x128xf32, #tpu.memory_space<hbm>>, %arg5: memref<16384xi32, #tpu.memory_space<hbm>>, %arg6: memref<16384x128xf32, #tpu.memory_space<hbm>>, %arg7: memref<16384x128xf32, #tpu.memory_space<hbm>>, %arg8: memref<512xi32, #tpu.memory_space<vmem>>, %arg9: memref<512x128xf32, #tpu.memory_space<vmem>>, %arg10: memref<!tpu.dma_semaphore, #tpu.memory_space<semaphore_mem>>) attributes {dimension_semantics = [#tpu.dimension_semantics<core_parallel>, #tpu.dimension_semantics<subcore_parallel>], iteration_bounds = array<i64: 2, 16>, scalar_prefetch = 0 : i64, scratch_operands = 3 : i64, tpu.core_type = #tpu.core_type<sc_vector_subcore>, window_params = [{transform_indices = #map}, {transform_indices = #map1}, {transform_indices = #map}, {transform_indices = #map1}, {transform_indices = #map}, {transform_indices = #map}]} {
    %mul3A = arith.constant 2 : i32
    %mul3A_0 = arith.muli %arg1, %mul3A : i32
    %add3A = arith.addi %mul3A_0, %arg0 : i32
    %mul3A_1 = arith.constant 512 : i32
    %mul3A_2 = arith.muli %add3A, %mul3A_1 : i32
    "tpu.region"() ({
      %run_scoped3A = tpu.sem_alloc : memref<!tpu.dma_semaphore, #tpu.memory_space<semaphore_mem>>
      %dma_start3A_13 = tpu.memref_slice %arg3[%mul3A_2] : memref<16384xi32, #tpu.memory_space<hbm>> -> memref<512xi32, #tpu.memory_space<hbm>>
      %dma_start3A_14 = tpu.memref_slice %arg3[%mul3A_2] : memref<16384xi32, #tpu.memory_space<hbm>> -> memref<512xi32, #tpu.memory_space<hbm>>
      tpu.enqueue_dma source(%dma_start3A_14 : memref<512xi32, #tpu.memory_space<hbm>>) target(%arg8 : memref<512xi32, #tpu.memory_space<vmem>>) target_semaphore(%run_scoped3A : memref<!tpu.dma_semaphore, #tpu.memory_space<semaphore_mem>>)
      %dma_wait3A_15 = tpu.memref_slice %arg3[%mul3A_2] : memref<16384xi32, #tpu.memory_space<hbm>> -> memref<512xi32, #tpu.memory_space<hbm>>
      %dma_wait3A_16 = tpu.memref_slice %arg3[%mul3A_2] : memref<16384xi32, #tpu.memory_space<hbm>> -> memref<512xi32, #tpu.memory_space<hbm>>
      tpu.wait_dma2 semaphore(%run_scoped3A : memref<!tpu.dma_semaphore, #tpu.memory_space<semaphore_mem>>) src(%dma_wait3A_16 : memref<512xi32, #tpu.memory_space<hbm>>) dst(%arg8 : memref<512xi32, #tpu.memory_space<vmem>>)
      tpu.yield
    }) : () -> ()
    %dma_start3A = arith.constant 0 : i32
    %dma_start3A_3 = arith.constant 0 : i32
    %dma_start3A_4 = tpu.memref_slice %arg2[%dma_start3A, %dma_start3A_3] : memref<25088x128xf32, #tpu.memory_space<hbm>> -> memref<25088x128xf32, #tpu.memory_space<hbm>>
    tpu.enqueue_indirect_dma source(%dma_start3A_4 : memref<25088x128xf32, #tpu.memory_space<hbm>>) target(%arg9 : memref<512x128xf32, #tpu.memory_space<vmem>>) offsets(%arg8 : memref<512xi32, #tpu.memory_space<vmem>>) semaphore(%arg10 : memref<!tpu.dma_semaphore, #tpu.memory_space<semaphore_mem>>)
    %dma_wait3A = arith.constant 0 : i32
    %dma_wait3A_5 = arith.constant 0 : i32
    %dma_wait3A_6 = tpu.memref_slice %arg2[%dma_wait3A, %dma_wait3A_5] : memref<25088x128xf32, #tpu.memory_space<hbm>> -> memref<25088x128xf32, #tpu.memory_space<hbm>>
    tpu.wait_indirect_dma semaphore(%arg10 : memref<!tpu.dma_semaphore, #tpu.memory_space<semaphore_mem>>) src(%dma_wait3A_6 : memref<25088x128xf32, #tpu.memory_space<hbm>>) dst(%arg9 : memref<512x128xf32, #tpu.memory_space<vmem>>)
    "tpu.region"() ({
      %run_scoped3A = tpu.sem_alloc : memref<!tpu.dma_semaphore, #tpu.memory_space<semaphore_mem>>
      %dma_start3A_13 = arith.constant 0 : i32
      %dma_start3A_14 = tpu.memref_slice %arg6[%mul3A_2, %dma_start3A_13] : memref<16384x128xf32, #tpu.memory_space<hbm>> -> memref<512x128xf32, #tpu.memory_space<hbm>>
      %dma_start3A_15 = arith.constant 0 : i32
      %dma_start3A_16 = tpu.memref_slice %arg6[%mul3A_2, %dma_start3A_15] : memref<16384x128xf32, #tpu.memory_space<hbm>> -> memref<512x128xf32, #tpu.memory_space<hbm>>
      tpu.enqueue_dma source(%arg9 : memref<512x128xf32, #tpu.memory_space<vmem>>) target(%dma_start3A_16 : memref<512x128xf32, #tpu.memory_space<hbm>>) target_semaphore(%run_scoped3A : memref<!tpu.dma_semaphore, #tpu.memory_space<semaphore_mem>>)
      %dma_wait3A_17 = arith.constant 0 : i32
      %dma_wait3A_18 = tpu.memref_slice %arg6[%mul3A_2, %dma_wait3A_17] : memref<16384x128xf32, #tpu.memory_space<hbm>> -> memref<512x128xf32, #tpu.memory_space<hbm>>
      %dma_wait3A_19 = arith.constant 0 : i32
      %dma_wait3A_20 = tpu.memref_slice %arg6[%mul3A_2, %dma_wait3A_19] : memref<16384x128xf32, #tpu.memory_space<hbm>> -> memref<512x128xf32, #tpu.memory_space<hbm>>
      tpu.wait_dma2 semaphore(%run_scoped3A : memref<!tpu.dma_semaphore, #tpu.memory_space<semaphore_mem>>) src(%arg9 : memref<512x128xf32, #tpu.memory_space<vmem>>) dst(%dma_wait3A_20 : memref<512x128xf32, #tpu.memory_space<hbm>>)
      tpu.yield
    }) : () -> ()
    "tpu.region"() ({
      %run_scoped3A = tpu.sem_alloc : memref<!tpu.dma_semaphore, #tpu.memory_space<semaphore_mem>>
      %dma_start3A_13 = tpu.memref_slice %arg5[%mul3A_2] : memref<16384xi32, #tpu.memory_space<hbm>> -> memref<512xi32, #tpu.memory_space<hbm>>
      %dma_start3A_14 = tpu.memref_slice %arg5[%mul3A_2] : memref<16384xi32, #tpu.memory_space<hbm>> -> memref<512xi32, #tpu.memory_space<hbm>>
      tpu.enqueue_dma source(%dma_start3A_14 : memref<512xi32, #tpu.memory_space<hbm>>) target(%arg8 : memref<512xi32, #tpu.memory_space<vmem>>) target_semaphore(%run_scoped3A : memref<!tpu.dma_semaphore, #tpu.memory_space<semaphore_mem>>)
      %dma_wait3A_15 = tpu.memref_slice %arg5[%mul3A_2] : memref<16384xi32, #tpu.memory_space<hbm>> -> memref<512xi32, #tpu.memory_space<hbm>>
      %dma_wait3A_16 = tpu.memref_slice %arg5[%mul3A_2] : memref<16384xi32, #tpu.memory_space<hbm>> -> memref<512xi32, #tpu.memory_space<hbm>>
      tpu.wait_dma2 semaphore(%run_scoped3A : memref<!tpu.dma_semaphore, #tpu.memory_space<semaphore_mem>>) src(%dma_wait3A_16 : memref<512xi32, #tpu.memory_space<hbm>>) dst(%arg8 : memref<512xi32, #tpu.memory_space<vmem>>)
      tpu.yield
    }) : () -> ()
    %dma_start3A_7 = arith.constant 0 : i32
    %dma_start3A_8 = arith.constant 0 : i32
    %dma_start3A_9 = tpu.memref_slice %arg4[%dma_start3A_7, %dma_start3A_8] : memref<125x128xf32, #tpu.memory_space<hbm>> -> memref<125x128xf32, #tpu.memory_space<hbm>>
    tpu.enqueue_indirect_dma source(%dma_start3A_9 : memref<125x128xf32, #tpu.memory_space<hbm>>) target(%arg9 : memref<512x128xf32, #tpu.memory_space<vmem>>) offsets(%arg8 : memref<512xi32, #tpu.memory_space<vmem>>) semaphore(%arg10 : memref<!tpu.dma_semaphore, #tpu.memory_space<semaphore_mem>>)
    %dma_wait3A_10 = arith.constant 0 : i32
    %dma_wait3A_11 = arith.constant 0 : i32
    %dma_wait3A_12 = tpu.memref_slice %arg4[%dma_wait3A_10, %dma_wait3A_11] : memref<125x128xf32, #tpu.memory_space<hbm>> -> memref<125x128xf32, #tpu.memory_space<hbm>>
    tpu.wait_indirect_dma semaphore(%arg10 : memref<!tpu.dma_semaphore, #tpu.memory_space<semaphore_mem>>) src(%dma_wait3A_12 : memref<125x128xf32, #tpu.memory_space<hbm>>) dst(%arg9 : memref<512x128xf32, #tpu.memory_space<vmem>>)
    "tpu.region"() ({
      %run_scoped3A = tpu.sem_alloc : memref<!tpu.dma_semaphore, #tpu.memory_space<semaphore_mem>>
      %dma_start3A_13 = arith.constant 0 : i32
      %dma_start3A_14 = tpu.memref_slice %arg7[%mul3A_2, %dma_start3A_13] : memref<16384x128xf32, #tpu.memory_space<hbm>> -> memref<512x128xf32, #tpu.memory_space<hbm>>
      %dma_start3A_15 = arith.constant 0 : i32
      %dma_start3A_16 = tpu.memref_slice %arg7[%mul3A_2, %dma_start3A_15] : memref<16384x128xf32, #tpu.memory_space<hbm>> -> memref<512x128xf32, #tpu.memory_space<hbm>>
      tpu.enqueue_dma source(%arg9 : memref<512x128xf32, #tpu.memory_space<vmem>>) target(%dma_start3A_16 : memref<512x128xf32, #tpu.memory_space<hbm>>) target_semaphore(%run_scoped3A : memref<!tpu.dma_semaphore, #tpu.memory_space<semaphore_mem>>)
      %dma_wait3A_17 = arith.constant 0 : i32
      %dma_wait3A_18 = tpu.memref_slice %arg7[%mul3A_2, %dma_wait3A_17] : memref<16384x128xf32, #tpu.memory_space<hbm>> -> memref<512x128xf32, #tpu.memory_space<hbm>>
      %dma_wait3A_19 = arith.constant 0 : i32
      %dma_wait3A_20 = tpu.memref_slice %arg7[%mul3A_2, %dma_wait3A_19] : memref<16384x128xf32, #tpu.memory_space<hbm>> -> memref<512x128xf32, #tpu.memory_space<hbm>>
      tpu.wait_dma2 semaphore(%run_scoped3A : memref<!tpu.dma_semaphore, #tpu.memory_space<semaphore_mem>>) src(%arg9 : memref<512x128xf32, #tpu.memory_space<vmem>>) dst(%dma_wait3A_20 : memref<512x128xf32, #tpu.memory_space<hbm>>)
      tpu.yield
    }) : () -> ()
    return
  }
}

module attributes {stable_mosaic.version = 14 : i64} {
  func.func @_pack_brand(%arg0: i32, %arg1: memref<32x512xf32, #tpu.memory_space<vmem>>, %arg2: memref<32x512xf32, #tpu.memory_space<vmem>>, %arg3: memref<32x512xf32, #tpu.memory_space<vmem>>, %arg4: memref<32x512xf32, #tpu.memory_space<vmem>>, %arg5: memref<512x128xf32, #tpu.memory_space<vmem>>) attributes {dimension_semantics = [#tpu.dimension_semantics<arbitrary>], iteration_bounds = array<i64: 49>, scalar_prefetch = 0 : i64, scratch_operands = 0 : i64, tpu.core_type = #tpu.core_type<tc>, window_params = [{transform_indices = @transform_0, window_bounds = array<i64: 32, 512>}, {transform_indices = @transform_1, window_bounds = array<i64: 32, 512>}, {transform_indices = @transform_2, window_bounds = array<i64: 32, 512>}, {transform_indices = @transform_3, window_bounds = array<i64: 32, 512>}, {transform_indices = @transform_4, window_bounds = array<i64: 512, 128>}]} {
    %get3A = arith.constant 0 : index
    %get3A_0 = arith.constant 0 : index
    %get3A_1 = vector.load %arg1[%get3A, %get3A_0] : memref<32x512xf32, #tpu.memory_space<vmem>>, vector<32x512xf32>
    %convert_element_type3A = arith.truncf %get3A_1 : vector<32x512xf32> to vector<32x512xbf16>
    %transpose3A = tpu.transpose %convert_element_type3A, [1, 0] : vector<32x512xbf16> -> vector<512x32xbf16>
    %convert_element_type3A_2 = arith.extf %transpose3A : vector<512x32xbf16> to vector<512x32xf32>
    %get3A_3 = arith.constant 0 : index
    %get3A_4 = arith.constant 0 : index
    %get3A_5 = vector.load %arg2[%get3A_3, %get3A_4] : memref<32x512xf32, #tpu.memory_space<vmem>>, vector<32x512xf32>
    %convert_element_type3A_6 = arith.truncf %get3A_5 : vector<32x512xf32> to vector<32x512xbf16>
    %transpose3A_7 = tpu.transpose %convert_element_type3A_6, [1, 0] : vector<32x512xbf16> -> vector<512x32xbf16>
    %convert_element_type3A_8 = arith.extf %transpose3A_7 : vector<512x32xbf16> to vector<512x32xf32>
    %get3A_9 = arith.constant 0 : index
    %get3A_10 = arith.constant 0 : index
    %get3A_11 = vector.load %arg3[%get3A_9, %get3A_10] : memref<32x512xf32, #tpu.memory_space<vmem>>, vector<32x512xf32>
    %convert_element_type3A_12 = arith.truncf %get3A_11 : vector<32x512xf32> to vector<32x512xbf16>
    %transpose3A_13 = tpu.transpose %convert_element_type3A_12, [1, 0] : vector<32x512xbf16> -> vector<512x32xbf16>
    %convert_element_type3A_14 = arith.extf %transpose3A_13 : vector<512x32xbf16> to vector<512x32xf32>
    %get3A_15 = arith.constant 0 : index
    %get3A_16 = arith.constant 0 : index
    %get3A_17 = vector.load %arg4[%get3A_15, %get3A_16] : memref<32x512xf32, #tpu.memory_space<vmem>>, vector<32x512xf32>
    %convert_element_type3A_18 = arith.truncf %get3A_17 : vector<32x512xf32> to vector<32x512xbf16>
    %transpose3A_19 = tpu.transpose %convert_element_type3A_18, [1, 0] : vector<32x512xbf16> -> vector<512x32xbf16>
    %convert_element_type3A_20 = arith.extf %transpose3A_19 : vector<512x32xbf16> to vector<512x32xf32>
    %concatenate3A = tpu.concatenate %convert_element_type3A_2, %convert_element_type3A_8, %convert_element_type3A_14, %convert_element_type3A_20 in 1 : vector<512x32xf32>, vector<512x32xf32>, vector<512x32xf32>, vector<512x32xf32> -> vector<512x128xf32>
    %swap3A = arith.constant 0 : index
    %swap3A_21 = arith.constant 0 : index
    %swap3A_22 = vector.load %arg5[%swap3A, %swap3A_21] : memref<512x128xf32, #tpu.memory_space<vmem>>, vector<512x128xf32>
    tpu.vector_store %arg5[%swap3A, %swap3A_21], %concatenate3A {strides = array<i32>} : memref<512x128xf32, #tpu.memory_space<vmem>>, vector<512x128xf32>,
    return
  }
  func.func @transform_0(%arg0: i32) -> (i32, i32) {
    %add3A = arith.constant 0 : i32
    %add3A_0 = arith.addi %add3A, %arg0 : i32
    %c0_i32 = arith.constant 0 : i32
    %c0_i32_1 = arith.constant 0 : i32
    return %c0_i32, %add3A_0 : i32, i32
  }
  func.func @transform_1(%arg0: i32) -> (i32, i32) {
    %add3A = arith.constant 49 : i32
    %add3A_0 = arith.addi %add3A, %arg0 : i32
    %c0_i32 = arith.constant 0 : i32
    %c0_i32_1 = arith.constant 0 : i32
    return %c0_i32, %add3A_0 : i32, i32
  }
  func.func @transform_2(%arg0: i32) -> (i32, i32) {
    %add3A = arith.constant 98 : i32
    %add3A_0 = arith.addi %add3A, %arg0 : i32
    %c0_i32 = arith.constant 0 : i32
    %c0_i32_1 = arith.constant 0 : i32
    return %c0_i32, %add3A_0 : i32, i32
  }
  func.func @transform_3(%arg0: i32) -> (i32, i32) {
    %add3A = arith.constant 147 : i32
    %add3A_0 = arith.addi %add3A, %arg0 : i32
    %c0_i32 = arith.constant 0 : i32
    %c0_i32_1 = arith.constant 0 : i32
    return %c0_i32, %add3A_0 : i32, i32
  }
  func.func @transform_4(%arg0: i32) -> (i32, i32) {
    %c0_i32 = arith.constant 0 : i32
    %c0_i32_0 = arith.constant 0 : i32
    return %arg0, %c0_i32 : i32, i32
  }
}

module attributes {stable_mosaic.version = 14 : i64} {
  func.func @_tc1(%arg0: i32, %arg1: memref<4096x384xf32, #tpu.memory_space<vmem>>, %arg2: memref<100x4096xf32, #tpu.memory_space<vmem>>, %arg3: memref<448x256xbf16, #tpu.memory_space<vmem>>, %arg4: memref<100x16xbf16, #tpu.memory_space<vmem>>, %arg5: memref<1x256xf32, #tpu.memory_space<vmem>>, %arg6: memref<4096x256xbf16, #tpu.memory_space<vmem>>) attributes {dimension_semantics = [#tpu.dimension_semantics<arbitrary>], iteration_bounds = array<i64: 4>, scalar_prefetch = 0 : i64, scratch_operands = 0 : i64, tpu.core_type = #tpu.core_type<tc>, window_params = [{transform_indices = @transform_0, window_bounds = array<i64: 4096, 384>}, {transform_indices = @transform_1, window_bounds = array<i64: 100, 4096>}, {pipeline_mode = #tpu.pipeline_mode<synchronous>, transform_indices = @transform_2, window_bounds = array<i64: 448, 256>}, {pipeline_mode = #tpu.pipeline_mode<synchronous>, transform_indices = @transform_3, window_bounds = array<i64: 100, 16>}, {pipeline_mode = #tpu.pipeline_mode<synchronous>, transform_indices = @transform_4, window_bounds = array<i64: 1, 256>}, {transform_indices = @transform_5, window_bounds = array<i64: 4096, 256>}]} {
    %get3A = arith.constant 0 : index
    %get3A_0 = arith.constant 0 : index
    %get3A_1 = vector.load %arg1[%get3A, %get3A_0] : memref<4096x384xf32, #tpu.memory_space<vmem>>, vector<4096x384xf32>
    %convert_element_type3A = arith.truncf %get3A_1 : vector<4096x384xf32> to vector<4096x384xbf16>
    %get3A_2 = arith.constant 0 : index
    %get3A_3 = arith.constant 0 : index
    %get3A_4 = vector.load %arg2[%get3A_2, %get3A_3] : memref<100x4096xf32, #tpu.memory_space<vmem>>, vector<100x4096xf32>
    %convert_element_type3A_5 = arith.truncf %get3A_4 : vector<100x4096xf32> to vector<100x4096xbf16>
    %get3A_6 = arith.constant 0 : index
    %get3A_7 = arith.constant 0 : index
    %get3A_8 = vector.load %arg3[%get3A_6, %get3A_7] : memref<448x256xbf16, #tpu.memory_space<vmem>>, vector<384x256xbf16>
    %get3A_9 = arith.constant 432 : index
    %get3A_10 = arith.constant 0 : index
    %get3A_11 = vector.load %arg3[%get3A_9, %get3A_10] : memref<448x256xbf16, #tpu.memory_space<vmem>>, vector<16x256xbf16>
    %get3A_12 = arith.constant 0 : index
    %get3A_13 = arith.constant 0 : index
    %get3A_14 = vector.load %arg4[%get3A_12, %get3A_13] : memref<100x16xbf16, #tpu.memory_space<vmem>>, vector<100x16xbf16>
    %dot_general3A = arith.constant dense<0.000000e+00> : vector<4096x16xf32>
    %dot_general3A_15 = tpu.matmul %convert_element_type3A_5, %get3A_14, %dot_general3A {dimension_numbers = #tpu.dot_dimension_numbers<[0], [0], [1], [1], [0, 1, 1, 1], [], []>, transpose_lhs_hint = false} : vector<100x4096xbf16>, vector<100x16xbf16>, vector<4096x16xf32> -> vector<4096x16xf32>
    %dot_general3A_16 = arith.constant dense<0.000000e+00> : vector<4096x256xf32>
    %dot_general3A_17 = tpu.matmul %convert_element_type3A, %get3A_8, %dot_general3A_16 {dimension_numbers = #tpu.dot_dimension_numbers<[1], [0], [0], [1], [0, 0, 1, 1], [], []>, transpose_lhs_hint = false} : vector<4096x384xbf16>, vector<384x256xbf16>, vector<4096x256xf32> -> vector<4096x256xf32>
    %convert_element_type3A_18 = arith.truncf %dot_general3A_15 : vector<4096x16xf32> to vector<4096x16xbf16>
    %dot_general3A_19 = arith.constant dense<0.000000e+00> : vector<4096x256xf32>
    %dot_general3A_20 = tpu.matmul %convert_element_type3A_18, %get3A_11, %dot_general3A_19 {dimension_numbers = #tpu.dot_dimension_numbers<[1], [0], [0], [1], [0, 0, 1, 1], [], []>, transpose_lhs_hint = false} : vector<4096x16xbf16>, vector<16x256xbf16>, vector<4096x256xf32> -> vector<4096x256xf32>
    %add3A = arith.addf %dot_general3A_17, %dot_general3A_20 : vector<4096x256xf32>
    %get3A_21 = arith.constant 0 : index
    %get3A_22 = arith.constant 0 : index
    %get3A_23 = vector.load %arg5[%get3A_21, %get3A_22] : memref<1x256xf32, #tpu.memory_space<vmem>>, vector<1x256xf32>
    %add3A_24 = vector.broadcast %get3A_23 : vector<1x256xf32> to vector<4096x256xf32>
    %add3A_25 = arith.addf %add3A, %add3A_24 : vector<4096x256xf32>
    %convert_element_type3A_26 = arith.truncf %add3A_25 : vector<4096x256xf32> to vector<4096x256xbf16>
    %swap3A = arith.constant 0 : index
    %swap3A_27 = arith.constant 0 : index
    %swap3A_28 = vector.load %arg6[%swap3A, %swap3A_27] : memref<4096x256xbf16, #tpu.memory_space<vmem>>, vector<4096x256xbf16>
    tpu.vector_store %arg6[%swap3A, %swap3A_27], %convert_element_type3A_26 {strides = array<i32>} : memref<4096x256xbf16, #tpu.memory_space<vmem>>, vector<4096x256xbf16>,
    return
  }
  func.func @transform_0(%arg0: i32) -> (i32, i32) {
    %c0_i32 = arith.constant 0 : i32
    %c0_i32_0 = arith.constant 0 : i32
    return %arg0, %c0_i32 : i32, i32
  }
  func.func @transform_1(%arg0: i32) -> (i32, i32) {
    %c0_i32 = arith.constant 0 : i32
    %c0_i32_0 = arith.constant 0 : i32
    return %c0_i32, %arg0 : i32, i32
  }
  func.func @transform_2(%arg0: i32) -> (i32, i32) {
    %c0_i32 = arith.constant 0 : i32
    %c0_i32_0 = arith.constant 0 : i32
    %c0_i32_1 = arith.constant 0 : i32
    return %c0_i32, %c0_i32_0 : i32, i32
  }
  func.func @transform_3(%arg0: i32) -> (i32, i32) {
    %c0_i32 = arith.constant 0 : i32
    %c0_i32_0 = arith.constant 0 : i32
    %c0_i32_1 = arith.constant 0 : i32
    return %c0_i32, %c0_i32_0 : i32, i32
  }
  func.func @transform_4(%arg0: i32) -> (i32, i32) {
    %c0_i32 = arith.constant 0 : i32
    %c0_i32_0 = arith.constant 0 : i32
    %c0_i32_1 = arith.constant 0 : i32
    return %c0_i32, %c0_i32_0 : i32, i32
  }
  func.func @transform_5(%arg0: i32) -> (i32, i32) {
    %c0_i32 = arith.constant 0 : i32
    %c0_i32_0 = arith.constant 0 : i32
    return %arg0, %c0_i32 : i32, i32
  }
}

module attributes {stable_mosaic.version = 14 : i64} {
  func.func @_tc2(%arg0: i32, %arg1: memref<4096x256xbf16, #tpu.memory_space<vmem>>, %arg2: memref<4096x128xf32, #tpu.memory_space<vmem>>, %arg3: memref<4096x128xf32, #tpu.memory_space<vmem>>, %arg4: memref<4096xi32, #tpu.memory_space<vmem>>, %arg5: memref<4096xi32, #tpu.memory_space<vmem>>, %arg6: memref<128x256xbf16, #tpu.memory_space<vmem>>, %arg7: memref<128x256xbf16, #tpu.memory_space<vmem>>, %arg8: memref<256x128xbf16, #tpu.memory_space<vmem>>, %arg9: memref<1x128xf32, #tpu.memory_space<vmem>>, %arg10: memref<4096x128xf32, #tpu.memory_space<vmem>>) attributes {dimension_semantics = [#tpu.dimension_semantics<arbitrary>], iteration_bounds = array<i64: 4>, scalar_prefetch = 0 : i64, scratch_operands = 0 : i64, tpu.core_type = #tpu.core_type<tc>, window_params = [{transform_indices = @transform_0, window_bounds = array<i64: 4096, 256>}, {transform_indices = @transform_1, window_bounds = array<i64: 4096, 128>}, {transform_indices = @transform_2, window_bounds = array<i64: 4096, 128>}, {transform_indices = @transform_3, window_bounds = array<i64: 4096>}, {transform_indices = @transform_4, window_bounds = array<i64: 4096>}, {pipeline_mode = #tpu.pipeline_mode<synchronous>, transform_indices = @transform_5, window_bounds = array<i64: 128, 256>}, {pipeline_mode = #tpu.pipeline_mode<synchronous>, transform_indices = @transform_6, window_bounds = array<i64: 128, 256>}, {pipeline_mode = #tpu.pipeline_mode<synchronous>, transform_indices = @transform_7, window_bounds = array<i64: 256, 128>}, {pipeline_mode = #tpu.pipeline_mode<synchronous>, transform_indices = @transform_8, window_bounds = array<i64: 1, 128>}, {transform_indices = @transform_9, window_bounds = array<i64: 4096, 128>}]} {
    %get3A = arith.constant 0 : index
    %get3A_0 = vector.load %arg4[%get3A] : memref<4096xi32, #tpu.memory_space<vmem>>, vector<4096xi32>
    %div3A = arith.constant 25088 : i32
    %div3A_1 = vector.broadcast %div3A : i32 to vector<4096xi32>
    %div3A_2 = arith.divsi %get3A_0, %div3A_1 : vector<4096xi32>
    %reshape3A = vector.shape_cast %div3A_2 : vector<4096xi32> to vector<4096x1xi32>
    %get3A_3 = arith.constant 0 : index
    %get3A_4 = vector.load %arg5[%get3A_3] : memref<4096xi32, #tpu.memory_space<vmem>>, vector<4096xi32>
    %rem3A = arith.constant 8 : i32
    %rem3A_5 = vector.broadcast %rem3A : i32 to vector<4096xi32>
    %rem3A_6 = arith.remsi %get3A_4, %rem3A_5 : vector<4096xi32>
    %reshape3A_7 = vector.shape_cast %rem3A_6 : vector<4096xi32> to vector<4096x1xi32>
    %iota3A = tpu.iota {dimensions = array<i32: 1>} : vector<4096x128xi32>
    %jit3A = arith.constant 32 : i32
    %div3A_8 = vector.broadcast %jit3A : i32 to vector<4096x128xi32>
    %div3A_9 = arith.divsi %iota3A, %div3A_8 : vector<4096x128xi32>
    %sign3A = arith.constant 0 : i32
    %sign3A_10 = vector.broadcast %sign3A : i32 to vector<4096x128xi32>
    %sign3A_11 = arith.cmpi sgt, %iota3A, %sign3A_10 : vector<4096x128xi32>
    %sign3A_12 = arith.extui %sign3A_11 : vector<4096x128xi1> to vector<4096x128xi32>
    %sign3A_13 = arith.constant 0 : i32
    %sign3A_14 = vector.broadcast %sign3A_13 : i32 to vector<4096x128xi32>
    %sign3A_15 = arith.cmpi slt, %iota3A, %sign3A_14 : vector<4096x128xi32>
    %sign3A_16 = arith.extui %sign3A_15 : vector<4096x128xi1> to vector<4096x128xi32>
    %sign3A_17 = arith.subi %sign3A_12, %sign3A_16 : vector<4096x128xi32>
    %sign3A_18 = arith.constant 0 : i32
    %sign3A_19 = arith.cmpi sgt, %jit3A, %sign3A_18 : i32
    %sign3A_20 = arith.extui %sign3A_19 : i1 to i32
    %sign3A_21 = arith.constant 0 : i32
    %sign3A_22 = arith.cmpi slt, %jit3A, %sign3A_21 : i32
    %sign3A_23 = arith.extui %sign3A_22 : i1 to i32
    %sign3A_24 = arith.subi %sign3A_20, %sign3A_23 : i32
    %ne3A = vector.broadcast %sign3A_24 : i32 to vector<4096x128xi32>
    %ne3A_25 = arith.cmpi ne, %sign3A_17, %ne3A : vector<4096x128xi32>
    %rem3A_26 = vector.broadcast %jit3A : i32 to vector<4096x128xi32>
    %rem3A_27 = arith.remsi %iota3A, %rem3A_26 : vector<4096x128xi32>
    %ne3A_28 = arith.constant 0 : i32
    %ne3A_29 = vector.broadcast %ne3A_28 : i32 to vector<4096x128xi32>
    %ne3A_30 = arith.cmpi ne, %rem3A_27, %ne3A_29 : vector<4096x128xi32>
    %and3A = arith.andi %ne3A_25, %ne3A_30 : vector<4096x128xi1>
    %sub3A = arith.constant 1 : i32
    %sub3A_31 = vector.broadcast %sub3A : i32 to vector<4096x128xi32>
    %sub3A_32 = arith.subi %div3A_9, %sub3A_31 : vector<4096x128xi32>
    %select_n3A = arith.select %and3A, %sub3A_32, %div3A_9 : vector<4096x128xi1>, vector<4096x128xi32>
    %eq3A = vector.broadcast %reshape3A : vector<4096x1xi32> to vector<4096x128xi32>
    %eq3A_33 = arith.cmpi eq, %select_n3A, %eq3A : vector<4096x128xi32>
    %get3A_34 = arith.constant 0 : index
    %get3A_35 = arith.constant 0 : index
    %get3A_36 = vector.load %arg2[%get3A_34, %get3A_35] : memref<4096x128xf32, #tpu.memory_space<vmem>>, vector<4096x128xf32>
    %jit3A_37 = arith.constant 0.000000e+00 : f32
    %broadcast_in_dim3A = vector.broadcast %jit3A_37 : f32 to vector<4096x128xf32>
    %select_n3A_38 = arith.select %eq3A_33, %get3A_36, %broadcast_in_dim3A : vector<4096x128xi1>, vector<4096x128xf32>
    %convert_element_type3A = arith.truncf %select_n3A_38 : vector<4096x128xf32> to vector<4096x128xbf16>
    %jit3A_39 = arith.constant 16 : i32
    %div3A_40 = vector.broadcast %jit3A_39 : i32 to vector<4096x128xi32>
    %div3A_41 = arith.divsi %iota3A, %div3A_40 : vector<4096x128xi32>
    %sign3A_42 = arith.constant 0 : i32
    %sign3A_43 = vector.broadcast %sign3A_42 : i32 to vector<4096x128xi32>
    %sign3A_44 = arith.cmpi sgt, %iota3A, %sign3A_43 : vector<4096x128xi32>
    %sign3A_45 = arith.extui %sign3A_44 : vector<4096x128xi1> to vector<4096x128xi32>
    %sign3A_46 = arith.constant 0 : i32
    %sign3A_47 = vector.broadcast %sign3A_46 : i32 to vector<4096x128xi32>
    %sign3A_48 = arith.cmpi slt, %iota3A, %sign3A_47 : vector<4096x128xi32>
    %sign3A_49 = arith.extui %sign3A_48 : vector<4096x128xi1> to vector<4096x128xi32>
    %sign3A_50 = arith.subi %sign3A_45, %sign3A_49 : vector<4096x128xi32>
    %sign3A_51 = arith.constant 0 : i32
    %sign3A_52 = arith.cmpi sgt, %jit3A_39, %sign3A_51 : i32
    %sign3A_53 = arith.extui %sign3A_52 : i1 to i32
    %sign3A_54 = arith.constant 0 : i32
    %sign3A_55 = arith.cmpi slt, %jit3A_39, %sign3A_54 : i32
    %sign3A_56 = arith.extui %sign3A_55 : i1 to i32
    %sign3A_57 = arith.subi %sign3A_53, %sign3A_56 : i32
    %ne3A_58 = vector.broadcast %sign3A_57 : i32 to vector<4096x128xi32>
    %ne3A_59 = arith.cmpi ne, %sign3A_50, %ne3A_58 : vector<4096x128xi32>
    %rem3A_60 = vector.broadcast %jit3A_39 : i32 to vector<4096x128xi32>
    %rem3A_61 = arith.remsi %iota3A, %rem3A_60 : vector<4096x128xi32>
    %ne3A_62 = arith.constant 0 : i32
    %ne3A_63 = vector.broadcast %ne3A_62 : i32 to vector<4096x128xi32>
    %ne3A_64 = arith.cmpi ne, %rem3A_61, %ne3A_63 : vector<4096x128xi32>
    %and3A_65 = arith.andi %ne3A_59, %ne3A_64 : vector<4096x128xi1>
    %sub3A_66 = arith.constant 1 : i32
    %sub3A_67 = vector.broadcast %sub3A_66 : i32 to vector<4096x128xi32>
    %sub3A_68 = arith.subi %div3A_41, %sub3A_67 : vector<4096x128xi32>
    %select_n3A_69 = arith.select %and3A_65, %sub3A_68, %div3A_41 : vector<4096x128xi1>, vector<4096x128xi32>
    %eq3A_70 = vector.broadcast %reshape3A_7 : vector<4096x1xi32> to vector<4096x128xi32>
    %eq3A_71 = arith.cmpi eq, %select_n3A_69, %eq3A_70 : vector<4096x128xi32>
    %get3A_72 = arith.constant 0 : index
    %get3A_73 = arith.constant 0 : index
    %get3A_74 = vector.load %arg3[%get3A_72, %get3A_73] : memref<4096x128xf32, #tpu.memory_space<vmem>>, vector<4096x128xf32>
    %jit3A_75 = arith.constant 0.000000e+00 : f32
    %broadcast_in_dim3A_76 = vector.broadcast %jit3A_75 : f32 to vector<4096x128xf32>
    %select_n3A_77 = arith.select %eq3A_71, %get3A_74, %broadcast_in_dim3A_76 : vector<4096x128xi1>, vector<4096x128xf32>
    %convert_element_type3A_78 = arith.truncf %select_n3A_77 : vector<4096x128xf32> to vector<4096x128xbf16>
    %get3A_79 = arith.constant 0 : index
    %get3A_80 = arith.constant 0 : index
    %get3A_81 = vector.load %arg1[%get3A_79, %get3A_80] : memref<4096x256xbf16, #tpu.memory_space<vmem>>, vector<4096x256xbf16>
    %convert_element_type3A_82 = arith.extf %get3A_81 : vector<4096x256xbf16> to vector<4096x256xf32>
    %get3A_83 = arith.constant 0 : index
    %get3A_84 = arith.constant 0 : index
    %get3A_85 = vector.load %arg6[%get3A_83, %get3A_84] : memref<128x256xbf16, #tpu.memory_space<vmem>>, vector<128x256xbf16>
    %dot_general3A = arith.constant dense<0.000000e+00> : vector<4096x256xf32>
    %dot_general3A_86 = tpu.matmul %convert_element_type3A, %get3A_85, %dot_general3A {dimension_numbers = #tpu.dot_dimension_numbers<[1], [0], [0], [1], [0, 0, 1, 1], [], []>, transpose_lhs_hint = false} : vector<4096x128xbf16>, vector<128x256xbf16>, vector<4096x256xf32> -> vector<4096x256xf32>
    %add3A = arith.addf %convert_element_type3A_82, %dot_general3A_86 : vector<4096x256xf32>
    %get3A_87 = arith.constant 0 : index
    %get3A_88 = arith.constant 0 : index
    %get3A_89 = vector.load %arg7[%get3A_87, %get3A_88] : memref<128x256xbf16, #tpu.memory_space<vmem>>, vector<128x256xbf16>
    %dot_general3A_90 = arith.constant dense<0.000000e+00> : vector<4096x256xf32>
    %dot_general3A_91 = tpu.matmul %convert_element_type3A_78, %get3A_89, %dot_general3A_90 {dimension_numbers = #tpu.dot_dimension_numbers<[1], [0], [0], [1], [0, 0, 1, 1], [], []>, transpose_lhs_hint = false} : vector<4096x128xbf16>, vector<128x256xbf16>, vector<4096x256xf32> -> vector<4096x256xf32>
    %add3A_92 = arith.addf %add3A, %dot_general3A_91 : vector<4096x256xf32>
    %max3A = arith.constant 0.000000e+00 : f32
    %max3A_93 = vector.broadcast %max3A : f32 to vector<4096x256xf32>
    %max3A_94 = arith.maximumf %add3A_92, %max3A_93 : vector<4096x256xf32>
    %convert_element_type3A_95 = arith.truncf %max3A_94 : vector<4096x256xf32> to vector<4096x256xbf16>
    %get3A_96 = arith.constant 0 : index
    %get3A_97 = arith.constant 0 : index
    %get3A_98 = vector.load %arg8[%get3A_96, %get3A_97] : memref<256x128xbf16, #tpu.memory_space<vmem>>, vector<256x128xbf16>
    %dot_general3A_99 = arith.constant dense<0.000000e+00> : vector<4096x128xf32>
    %dot_general3A_100 = tpu.matmul %convert_element_type3A_95, %get3A_98, %dot_general3A_99 {dimension_numbers = #tpu.dot_dimension_numbers<[1], [0], [0], [1], [0, 0, 1, 1], [], []>, transpose_lhs_hint = false} : vector<4096x256xbf16>, vector<256x128xbf16>, vector<4096x128xf32> -> vector<4096x128xf32>
    %get3A_101 = arith.constant 0 : index
    %get3A_102 = arith.constant 0 : index
    %get3A_103 = vector.load %arg9[%get3A_101, %get3A_102] : memref<1x128xf32, #tpu.memory_space<vmem>>, vector<1x128xf32>
    %add3A_104 = vector.broadcast %get3A_103 : vector<1x128xf32> to vector<4096x128xf32>
    %add3A_105 = arith.addf %dot_general3A_100, %add3A_104 : vector<4096x128xf32>
    %mul3A = arith.mulf %add3A_105, %add3A_105 : vector<4096x128xf32>
    %reduce_sum3A = arith.constant dense<0.000000e+00> : vector<4096xf32>
    %reduce_sum3A_106 = vector.multi_reduction <add>, %mul3A, %reduce_sum3A [1] : vector<4096x128xf32> to vector<4096xf32>
    %broadcast_in_dim3A_107 = vector.shape_cast %reduce_sum3A_106 : vector<4096xf32> to vector<4096x1xf32>
    %max3A_108 = arith.constant 1.000000e-24 : f32
    %max3A_109 = vector.broadcast %max3A_108 : f32 to vector<4096x1xf32>
    %max3A_110 = arith.maximumf %broadcast_in_dim3A_107, %max3A_109 : vector<4096x1xf32>
    %rsqrt3A = math.rsqrt %max3A_110 : vector<4096x1xf32>
    %mul3A_111 = vector.broadcast %rsqrt3A : vector<4096x1xf32> to vector<4096x128xf32>
    %mul3A_112 = arith.mulf %add3A_105, %mul3A_111 : vector<4096x128xf32>
    %swap3A = arith.constant 0 : index
    %swap3A_113 = arith.constant 0 : index
    %swap3A_114 = vector.load %arg10[%swap3A, %swap3A_113] : memref<4096x128xf32, #tpu.memory_space<vmem>>, vector<4096x128xf32>
    tpu.vector_store %arg10[%swap3A, %swap3A_113], %mul3A_112 {strides = array<i32>} : memref<4096x128xf32, #tpu.memory_space<vmem>>, vector<4096x128xf32>,
    return
  }
  func.func @transform_0(%arg0: i32) -> (i32, i32) {
    %c0_i32 = arith.constant 0 : i32
    %c0_i32_0 = arith.constant 0 : i32
    return %arg0, %c0_i32 : i32, i32
  }
  func.func @transform_1(%arg0: i32) -> (i32, i32) {
    %c0_i32 = arith.constant 0 : i32
    %c0_i32_0 = arith.constant 0 : i32
    return %arg0, %c0_i32 : i32, i32
  }
  func.func @transform_2(%arg0: i32) -> (i32, i32) {
    %c0_i32 = arith.constant 0 : i32
    %c0_i32_0 = arith.constant 0 : i32
    return %arg0, %c0_i32 : i32, i32
  }
  func.func @transform_3(%arg0: i32) -> i32 {
    %c0_i32 = arith.constant 0 : i32
    return %arg0 : i32
  }
  func.func @transform_4(%arg0: i32) -> i32 {
    %c0_i32 = arith.constant 0 : i32
    return %arg0 : i32
  }
  func.func @transform_5(%arg0: i32) -> (i32, i32) {
    %c0_i32 = arith.constant 0 : i32
    %c0_i32_0 = arith.constant 0 : i32
    %c0_i32_1 = arith.constant 0 : i32
    return %c0_i32, %c0_i32_0 : i32, i32
  }
  func.func @transform_6(%arg0: i32) -> (i32, i32) {
    %c0_i32 = arith.constant 0 : i32
    %c0_i32_0 = arith.constant 0 : i32
    %c0_i32_1 = arith.constant 0 : i32
    return %c0_i32, %c0_i32_0 : i32, i32
  }
  func.func @transform_7(%arg0: i32) -> (i32, i32) {
    %c0_i32 = arith.constant 0 : i32
    %c0_i32_0 = arith.constant 0 : i32
    %c0_i32_1 = arith.constant 0 : i32
    return %c0_i32, %c0_i32_0 : i32, i32
  }
  func.func @transform_8(%arg0: i32) -> (i32, i32) {
    %c0_i32 = arith.constant 0 : i32
    %c0_i32_0 = arith.constant 0 : i32
    %c0_i32_1 = arith.constant 0 : i32
    return %c0_i32, %c0_i32_0 : i32, i32
  }
  func.func @transform_9(%arg0: i32) -> (i32, i32) {
    %c0_i32 = arith.constant 0 : i32
    %c0_i32_0 = arith.constant 0 : i32
    return %arg0, %c0_i32 : i32, i32
  }
}

</mosaic_0001>

<sc_bundles>
// kernel: kernel.6.cloned.1.call-start
scs
__scs_entry_jumppad:
0x0: {  	(pc) =	sbr.rel $0x88, $3  }
0x1: {  	(tag) =	ssettag $0x0;
	lr =	simm.s32 $0x1  }
0x2: {  	[smem:$0x3F96] =	sst lr;
	_ =	strace $0xD0000000  }
0x3: {  	_ = 	snop  }
0x4: {  	_ = 	snop  }
0x5: {  	_ = 	snop  }
0x6: {  	_ = 	snop  }
0x7: {  	_ = 	snop  }
__scs_overlays_trampoline_lowered:
0x8: {  	[smem:$0x3FA5] =	sst s0  }
0x9: {  	[smem:$0x3FA6] =	sst s1  }
0xa: {  	[smem:$0x3FA7] =	sst s2  }
0xb: {  	[smem:$0x3FA8] =	sst s3  }
0xc: {  	[smem:$0x3FA9] =	sst s4  }
0xd: {  	[smem:$0x3FAA] =	sst s5  }
0xe: {  	[smem:$0x3FAB] =	sst s6  }
0xf: {  	[smem:$0x3FAC] =	sst s7  }
0x10: {  	[smem:$0x3FAD] =	sst s8  }
0x11: {  	[smem:$0x3FAE] =	sst s9;
	s0 =	simm.s32 @!p0 $0x0  }
0x12: {  	s1 =	sld [smem:$0x3F94];
	s0 =	simm.s32 @p0 $0x1  }
0x13: {  	[smem:$0x3FAF] =	sst s0;
	s0 =	simm.s32 @!p1 $0x0  }
0x14: {  	s2 =	sld [smem:$0x3F93];
	s0 =	simm.s32 @p1 $0x1  }
0x15: {  	[smem:$0x3FB0] =	sst s0;
	s0 =	simm.s32 @!p2 $0x0  }
0x16: {  	s3 =	sld [smem:$0x3FDB];
	s0 =	simm.s32 @p2 $0x1  }
0x17: {  	s4 =	simm.s32 $0x1BF5;
	[smem:$0x3FB2] =	sst s0  }
0x18: {  	s0 =	sld [smem:$0x3F95];
	_ =	swait.ge [sflag:s4], $0x0  }
0x19: {  	s7 =	sld [smem:$0x3F96]  }
0x1a: {  	s8 =	sadd.s32 $0xFFFFE003, lr  }
0x1b: {  	s9 =	sadd.s32 $0xFFFFFEF7, lr;
	s5 =	simm.s32 $0xFFFFFFFF;
	p2 =	slt.u32 s8, $0xFFFFF086  }
0x1c: {  	p1 =	slt.u32 s9, $0xF7A;
	s5 =	simm.s32 @!p2 $0x0  }
0x1d: {  	s5 =	simm.s32 @p1 $0x1;
	p0 =	seq.s32 s7, s2  }
0x1e: {  	s7 =	smul.u32 @!p0 $0xF7A, s2;
	p2 =	seq.s32 @!p0 s5, $0x0  }
0x1f: {  	s9 =	smul.u32 $0xF7A, s1;
	s8 =	simm.s32 @!p0 $0x1BF5;
	p2 =	por !p2, p0  }
0x20: {  	[sflag:s8] =	ssyncset.s32 @!p0 $0xFFFFF086;
	s6 =	sadd.s32 @!p0 s3, s7;
	s7 =	simm.s32 @!p0 $0x108  }
0x21: {  	s3 =	sadd.s32 s3, s9;
	s6 =	sadd.s32 @!p0 $0x88, s6;
	s7 =	simm.s32 @p2 $0x1082  }
0x22: {  	[simem:s7], [sflag:s8] =	dma.local @!p0 [hbm:s6], $0xF7A  }
0x23: {  	s9 =	sor.u32 $0xD0000000, s2;
	s6 =	simm.s32 $0x108;
	_ =	swait.ge @!p0 [sflag:s8], $0x0  }
0x24: {  	s3 =	sadd.s32 $0x88, s3;
	s6 =	simm.s32 @!p1 $0x1082;
	[sflag:s4] =	ssyncset.s32 $0xFFFFF086  }
0x25: {  	[simem:s6], [sflag:s4] =	dma.local [hbm:s3], $0xF7A  }
0x26: {  	[smem:$0x3F96] =	sst s1;
	(tag) =	ssettag s2;
	_ =	strace s9  }
0x27: {  	s1 =	sld [smem:$0x3FA6]  }
0x28: {  	s2 =	sld [smem:$0x3FA7]  }
0x29: {  	s4 =	sld [smem:$0x3FA9]  }
0x2a: {  	p0 =	seq.s32 s5, $0x0;
	s5 =	sld [smem:$0x3FAA]  }
0x2b: {  	s6 =	sld [smem:$0x3FAB]  }
0x2c: {  	s7 =	sld [smem:$0x3FAC]  }
0x2d: {  	s3 =	simm.s32 $0x108;
	s8 =	sld [smem:$0x3FAD]  }
0x2e: {  	s3 =	simm.s32 @!p0 $0x1082;
	s9 =	sld [smem:$0x3FAE]  }
0x2f: {  	lr =	sadd.s32 s0, s3;
	s0 =	sld [smem:$0x3FA5]  }
0x30: {  	s3 =	sld [smem:$0x3FA8]  }
0x31: {  	[smem:$0x3FB1] =	sst s10  }
0x32: {  	s10 =	sld [smem:$0x3FAF];
	_ =	sdelay $0x3  }
0x33: {  	p0 =	seq.s32 s10, $0x1;
	s10 =	sld [smem:$0x3FB1];
	_ =	sdelay $0x3  }
0x34: {  	[smem:$0x3FB1] =	sst s10  }
0x35: {  	s10 =	sld [smem:$0x3FB0];
	_ =	sdelay $0x3  }
0x36: {  	p1 =	seq.s32 s10, $0x1;
	s10 =	sld [smem:$0x3FB1];
	_ =	sdelay $0x3  }
0x37: {  	[smem:$0x3FB1] =	sst s10  }
0x38: {  	s10 =	sld [smem:$0x3FB2]  }
0x39: {  	_ = 	snop;
	(pc) =	sbr.ind lr, $3  }
0x3a: {  	_ = 	snop  }
0x3b: {  	_ = 	snop  }
0x3c: {  	p2 =	seq.s32 s10, $0x1;
	s10 =	sld [smem:$0x3FB1]  }
0x3d: {  	_ =	shalt  }
0x3e: {  	_ =	shalt  }
0x3f: {  	_ =	shalt  }
0x40: {  	_ =	shalt  }
0x41: {  	_ =	shalt  }
0x42: {  	_ =	shalt  }
0x43: {  	_ =	shalt  }
0x44: {  	_ =	shalt  }
0x45: {  	_ =	shalt  }
0x46: {  	_ =	shalt  }
0x47: {  	_ =	shalt  }
0x48: {  	_ =	shalt  }
0x49: {  	_ =	shalt  }
0x4a: {  	_ =	shalt  }
0x4b: {  	_ =	shalt  }
0x4c: {  	_ =	shalt  }
0x4d: {  	_ =	shalt  }
0x4e: {  	_ =	shalt  }
0x4f: {  	_ =	shalt  }
0x50: {  	_ =	shalt  }
0x51: {  	_ =	shalt  }
0x52: {  	_ =	shalt  }
0x53: {  	_ =	shalt  }
0x54: {  	_ =	shalt  }
0x55: {  	_ =	shalt  }
0x56: {  	_ =	shalt  }
0x57: {  	_ =	shalt  }
0x58: {  	_ =	shalt  }
0x59: {  	_ =	shalt  }
0x5a: {  	_ =	shalt  }
0x5b: {  	_ =	shalt  }
0x5c: {  	_ =	shalt  }
0x5d: {  	_ =	shalt  }
0x5e: {  	_ =	shalt  }
0x5f: {  	_ =	shalt  }
0x60: {  	_ =	shalt  }
0x61: {  	_ =	shalt  }
0x62: {  	_ =	shalt  }
0x63: {  	_ =	shalt  }
0x64: {  	_ =	shalt  }
0x65: {  	_ =	shalt  }
0x66: {  	_ =	shalt  }
0x67: {  	_ =	shalt  }
0x68: {  	_ =	shalt  }
0x69: {  	_ =	shalt  }
0x6a: {  	_ =	shalt  }
0x6b: {  	_ =	shalt  }
0x6c: {  	_ =	shalt  }
0x6d: {  	_ =	shalt  }
0x6e: {  	_ =	shalt  }
0x6f: {  	_ =	shalt  }
0x70: {  	_ =	shalt  }
0x71: {  	_ =	shalt  }
0x72: {  	_ =	shalt  }
0x73: {  	_ =	shalt  }
0x74: {  	_ =	shalt  }
0x75: {  	_ =	shalt  }
0x76: {  	_ =	shalt  }
0x77: {  	_ =	shalt  }
0x78: {  	_ =	shalt  }
0x79: {  	_ =	shalt  }
0x7a: {  	_ =	shalt  }
0x7b: {  	_ =	shalt  }
0x7c: {  	_ =	shalt  }
0x7d: {  	_ =	shalt  }
0x7e: {  	_ =	shalt  }
0x7f: {  	_ =	shalt  }
0x80: {  	_ =	shalt  }
0x81: {  	_ =	shalt  }
0x82: {  	_ =	shalt  }
0x83: {  	_ =	shalt  }
0x84: {  	_ =	shalt  }
0x85: {  	_ =	shalt  }
0x86: {  	_ =	shalt  }
0x87: {  	_ =	shalt  }
.Lfunc_end0:
.L_simem_size_0:
called_computation_lowered:
.L_overlay_start_0:
0x88: {  	s2 =	sld [smem:$0x3FD9]  }
0x89: {  	s3 =	sld [smem:$0x3FFE];
	_ =	sdelay $0x1  }
0x8a: {  	s1 =	srdreg.scid  }
0x8b: {  	s0 =	sand.u32 $0x1, s1  }
0x8c: {  	s17 =	sshll.u32 s0, $0xA;
	s2 =	sadd.s32 s3, s2  }
0x8d: {  	s2 =	sadd.s32 s2, s17  }
0x8e: {  	[smem:$0x3FBD] =	sst s2  }
0x8f: {  	_ = 	snop  }
0x90: {  	s2 =	sld [smem:$0x3FD0];
	(tm) =	ssettm $0x1  }
0x91: {  	s18 =	sld [smem:$0x3FFB];
	_ =	sdelay $0x3  }
0x92: {  	_ =	strace s18  }
0x93: {  	s3 =	sld [smem:$0x3FFC];
	_ =	sdelay $0x3  }
0x94: {  	_ =	strace s3  }
0x95: {  	s3 =	sld [smem:$0x3FFD];
	_ =	sdelay $0x3  }
0x96: {  	_ =	strace s3  }
0x97: {  	_ =	strace $0x8FFFFFFF  }
0x98: {  	s19 =	sld [smem:$0x3FDB];
	_ =	sdelay $0x1  }
0x99: {  	s4 =	simm.s32 $_scs_section_size  }
0x9a: {  	s5 =	simm.s32 $_size__tile_overlayer_lowered;
	s6 =	simm.s32 $_tile_overlayer_lowered  }
0x9b: {  	s22 =	simm.s32 $0x1BFF;
	s21 =	sshll.u32 s6, $0x1;
	s3 =	sadd.s32 s4, s19  }
0x9c: {  	s7 =	simm.s32 $0x0;
	s20 =	sshll.u32 s5, $0x1;
	s5 =	sadd.s32 s21, s3  }
0x9d: {  	[timem:s7], [sflag:s22] =	dma.local [hbm:s5], s20  }
0x9e: {  	_ =	swait.ge [sflag:s22], s20  }
0x9f: {  	s4 =	ssub.s32 $0x0, s20;
	[sflag:s22] =	ssyncset.done $0x0  }
0xa0: {  	[sflag:s22] =	ssyncadd.s32 s4;
	_ =	sdelay $0x1  }
0xa1: {  	s23 =	simm.s32 $0x1B8B  }
0xa2: {  	_ =	swait.ge [sflag:s23], $0x1  }
0xa3: {  	[sflag:s23] =	ssyncset.done $0x0  }
0xa4: {  	s25 =	simm.s32 $0x1B8E;
	s24 =	sld [smem:$0x3FFE];
	[sflag:s23] =	ssyncadd.s32 $0xFFFFFFFF  }
0xa5: {  	s26 =	simm.s32 $execute0_lowered;
	[smem:$0x3FD2] =	sst s25  }
0xa6: {  	s5 =	sshll.u32 s26, $0x1;
	_ =	strace $0x80000046;
	[dreg:$0x1] =	wrdreg $0xFFFFFFFF  }
0xa7: {  	s28 =	simm.s32 $_size_execute0_lowered;
	s3 =	sadd.s32 s3, s5;
	[dreg:$0x0] =	wrdreg $0x0  }
0xa8: {  	s5 =	sshll.u32 s28, $0x1;
	[dreg:$0x2] =	wrdreg s3  }
0xa9: {  	[dreg:$0x3] =	wrdreg s5  }
0xaa: {  	[dreg:$0x4] =	wrdreg $0xC0  }
0xab: {  	_ =	task [dreg:s7], $0x5FFFF  }
0xac: {  	[dreg:$0x1] =	wrdreg $0xFFFFFFFF  }
0xad: {  	[dreg:$0x0] =	wrdreg $0x60  }
0xae: {  	[dreg:$0x2] =	wrdreg s24  }
0xaf: {  	[dreg:$0x3] =	wrdreg s2  }
0xb0: {  	[dreg:$0x4] =	wrdreg $0x9  }
0xb1: {  	_ =	task.clear_ibuf [dreg:s7], $0x5FFFF;
	_ =	strace $0x90000046  }
0xb2: {  	s29 =	simm.s32 $0x9;
	_ =	strace $0x80000048  }
0xb3: {  	_ =	swait.ge [sflag:s29], $0x1  }
0xb4: {  	[sflag:s29] =	ssyncadd.s32 $0xFFFFFFFF  }
0xb5: {  	_ =	strace $0x90000048  }
0xb6: {  	_ =	sfence  }
0xb7: {  	s30 =	sld [smem:$0x0];
	_ =	sdelay $0x2  }
0xb8: {  	s31 =	sshll.u32 s1, $0xD;
	s1 =	sshrl.u32 s1, $0x2  }
0xb9: {  	s3 =	sand.u32 $0x4000, s31;
	s1 =	sadd.s32 s1, s30  }
0xba: {  	s0 =	sor.u32 s3, s0;
	s1 =	sshll.u32 s1, $0x11  }
0xbb: {  	s0 =	sor.u32 s1, s0  }
0xbc: {  	s0 =	sadd.s32 $0x8F2B, s0  }
0xbd: {  	[sflag:s0] =	ssyncadd.remote.s32 $0x1  }
0xbe: {  	_ =	sfence.sel $0xFFFF  }
0xbf: {  	[dreg:$0x0] =	wrdreg $0xFFFFFFFF;
	(pc) =	sbr.abs _section_cstart, $3  }
0xc0: {  	[dreg:$0x1] =	wrdreg $0xFFFFFFFF  }
0xc1: {  	_ =	task.clear_ibuf [dreg:s7], $0x2FFFF;
	_ =	strace $0x9FFFFFFF  }
0xc2: {  	(tm) =	ssettm $0x7FFFFFFF  }
0xc3: {  	_ =	shalt  }
tec
execute0_lowered:
.L_overlay_start_1:
0x0: {  	(tag) =	ssettag $0x1  }
0x1: {  	s1 =	srdreg.scid  }
0x2: {  	s0 =	stileid.u32;
	s11 =	sand.u32 $0x1, s1  }
0x3: {  	s12 =	rddreg [dreg:$0x0];
	s29 =	sshll.u32 s0, $0xA;
	s2 =	sshll.u32 s11, $0x9  }
0x4: {  	s8 =	rddreg [dreg:$0x1];
	s9 =	sor.u32 s2, s29  }
0x5: {  	s1 =	rddreg [dreg:$0x2];
	s2 =	simm.s32 $0x0;
	s3 =	sshrl.u32 s9, $0x3  }
0x6: {  	[smem:$0x7FF] =	sst s2;
	s10 =	sadd.s32 s3, s12  }
0x7: {  	_ =	strace $0x80000047;
	s3 =	simm.s32 $0x2;
	s4 =	sadd.s32 $0x65600, s10  }
0x8: {  	[tilespmem:s2], [sflag:$0x2] =	stream.linear.gather [hbm4b:s4+s2], $0x200, $0x38;
	[tilespmem:$0x10200] =	vst v63  }
0x9: {  	_ =	swait.ge [sflag:s3], $0x200  }
0xa: {  	s6 =	simm.s32 $0x200;
	[sflag:s3] =	ssyncset.done $0x0  }
0xb: {  	s7 =	simm.s32 $0x1;
	s5 =	sadd.s32 $0x2600, s12;
	[sflag:s3] =	ssyncadd.s32 $0xFFFFFE00  }
0xc: {  	[tilespmem:s6], [sflag:$0x1] =	stream.indirect.gather [hbm4b:s5+s6], $0x80, s2, s6, $0xb8;
	[tilespmem:$0x10200] =	vst v63  }
0xd: {  	_ =	swait.ge [sflag:s7], $0x10000  }
0xe: {  	s13 =	sshll.u32 s9, $0x4;
	[sflag:s7] =	ssyncset.done $0x0  }
0xf: {  	s8 =	sadd.s32 s8, s13;
	[sflag:s7] =	ssyncadd.s32 $0xFFFF0000  }
0x10: {  	[hbm4b:s8+s2] =	stream.linear.scatter [tilespmem:s6], [sflag:$0x2], $0x10000, $0x38;
	[tilespmem:$0x10200] =	vst v63  }
0x11: {  	_ =	swait.ge [sflag:s3], $0x10000  }
0x12: {  	[sflag:s3] =	ssyncset.done $0x0  }
0x13: {  	s11 =	ssub.s32 $0x2, s11;
	s9 =	sadd.s32 $0x64E00, s10;
	[sflag:s3] =	ssyncadd.s32 $0xFFFF0000  }
0x14: {  	[tilespmem:s2], [sflag:$0x2] =	stream.linear.gather [hbm4b:s9+s2], $0x200, $0x38;
	[tilespmem:$0x10200] =	vst v63  }
0x15: {  	s14 =	sshrl.u32 s11, $0x1;
	_ =	swait.ge [sflag:s3], $0x200  }
0x16: {  	s30 =	ssub.s32 s11, s14;
	[sflag:s3] =	ssyncset.done $0x0  }
0x17: {  	s31 =	smax.u32 s30, $0x1;
	s10 =	sadd.s32 $0x64600, s12;
	[sflag:s3] =	ssyncadd.s32 $0xFFFFFE00  }
0x18: {  	[tilespmem:s6], [sflag:$0x1] =	stream.indirect.gather [hbm4b:s10+s6], $0x80, s2, s6, $0xb8;
	[tilespmem:$0x10200] =	vst v63  }
0x19: {  	p0 =	sne.s32 s31, $0x1;
	_ =	swait.ge [sflag:s7], $0x10000  }
.Ltmp0:
0x1a: {  	s12 =	sadd.s32 s13, s12;
	[sflag:s7] =	ssyncset.done $0x0;
	(pc) =	sbr.rel @!p0 .LBB2_2-.Ltmp0, $4  }
0x1b: {  	s11 =	sadd.s32 $0x65E00, s12;
	[sflag:s7] =	ssyncadd.s32 $0xFFFF0000  }
0x1c: {  	[hbm4b:s11+s2] =	stream.linear.scatter [tilespmem:s6], [sflag:$0x2], $0x10000, $0x38;
	[tilespmem:$0x10200] =	vst v63  }
0x1d: {  	_ =	swait.ge [sflag:s3], $0x10000  }
0x1e: {  	s12 =	sadd.s32 $0xFFFFFFFF, s31;
	[sflag:s3] =	ssyncset.done $0x0  }
.LBB2_1:
0x1f: {  	p0 =	sne.s32 s12, $0x1;
	s12 =	sadd.s32 $0xFFFFFFFF, s12;
	[sflag:s3] =	ssyncadd.s32 $0xFFFF0000  }
0x20: {  	[tilespmem:s2], [sflag:$0x2] =	stream.linear.gather [hbm4b:s4+s2], $0x200, $0x38;
	[tilespmem:$0x10200] =	vst v63  }
0x21: {  	_ =	swait.ge [sflag:s3], $0x200  }
0x22: {  	[sflag:s3] =	ssyncset.done $0x0  }
0x23: {  	[sflag:s3] =	ssyncadd.s32 $0xFFFFFE00  }
0x24: {  	[tilespmem:s6], [sflag:$0x1] =	stream.indirect.gather [hbm4b:s5+s6], $0x80, s2, s6, $0xb8;
	[tilespmem:$0x10200] =	vst v63  }
0x25: {  	_ =	swait.ge [sflag:s7], $0x10000  }
0x26: {  	[sflag:s7] =	ssyncset.done $0x0  }
0x27: {  	[sflag:s7] =	ssyncadd.s32 $0xFFFF0000  }
0x28: {  	[hbm4b:s8+s2] =	stream.linear.scatter [tilespmem:s6], [sflag:$0x2], $0x10000, $0x38;
	[tilespmem:$0x10200] =	vst v63  }
0x29: {  	_ =	swait.ge [sflag:s3], $0x10000  }
0x2a: {  	[sflag:s3] =	ssyncset.done $0x0  }
0x2b: {  	[sflag:s3] =	ssyncadd.s32 $0xFFFF0000  }
0x2c: {  	[tilespmem:s2], [sflag:$0x2] =	stream.linear.gather [hbm4b:s9+s2], $0x200, $0x38;
	[tilespmem:$0x10200] =	vst v63  }
0x2d: {  	_ =	swait.ge [sflag:s3], $0x200  }
0x2e: {  	[sflag:s3] =	ssyncset.done $0x0  }
0x2f: {  	[sflag:s3] =	ssyncadd.s32 $0xFFFFFE00  }
0x30: {  	[tilespmem:s6], [sflag:$0x1] =	stream.indirect.gather [hbm4b:s10+s6], $0x80, s2, s6, $0xb8;
	[tilespmem:$0x10200] =	vst v63  }
0x31: {  	_ =	swait.ge [sflag:s7], $0x10000  }
.Ltmp1:
0x32: {  	[sflag:s7] =	ssyncset.done $0x0;
	(pc) =	sbr.rel @p0 .LBB2_1-.Ltmp1, $4  }
0x33: {  	[sflag:s7] =	ssyncadd.s32 $0xFFFF0000  }
0x34: {  	[hbm4b:s11+s2] =	stream.linear.scatter [tilespmem:s6], [sflag:$0x2], $0x10000, $0x38;
	[tilespmem:$0x10200] =	vst v63  }
0x35: {  	_ =	swait.ge [sflag:s3], $0x10000  }
0x36: {  	[sflag:s3] =	ssyncset.done $0x0  }
.LBB2_2:
0x37: {  	[sflag:s3] =	ssyncadd.s32 $0xFFFF0000  }
0x38: {  	_ =	sfence.sel $0x180000  }
0x39: {  	[bflag:$0x0] =	sbarrier.arrive $0xFFFF  }
0x3a: {  	p0 =	sne.s32 s0, $0x0;
	_ =	strace $0x90000047  }
0x3b: {  	s0 =	sadd.s32 @!p0 $0x100000, s1;
	[bflag:$0x2] =	sbarrier.arrive $0xFFFF  }
0x3c: {  	[sflag:s0] =	ssyncadd.tile.s32 @!p0 $0x1;
	_ =	shalt  }
.Lfunc_end2:
_tile_overlayer_lowered:
.L_overlay_start_2:
0x3d: {  	(tag) =	ssettag $0x2  }
0x3e: {  	s0 =	rddreg [dreg:$0x0];
	s2 =	stileid.u32  }
0x3f: {  	s1 =	rddreg [dreg:$0x1];
	p0 =	sne.s32 s2, $0x0  }
0x40: {  	s3 =	rddreg [dreg:$0x2];
	[bflag:$0x3] =	sbarrier.arrive $0xFFFF;
	s2 =	simm.s32 @!p0 $0x1C02  }
0x41: {  	[timem:s3], [sflag:s2] =	dma.local @!p0 [hbm:s0], s1  }
0x42: {  	s0 =	simm.s32 @!p0 $0x2  }
0x43: {  	_ =	swait.ge @!p0 [sflag:s0], s1  }
0x44: {  	s1 =	ssub.s32 @!p0 $0x0, s1;
	[sflag:s0] =	ssyncset.done @!p0 $0x0  }
0x45: {  	[sflag:s0] =	ssyncadd.s32 @!p0 s1  }
0x46: {  	[bflag:$0x3] =	sbarrier.arrive $0xFFFF  }
0x47: {  	_ =	shalt  }

</sc_bundles>
